<compile_context>
chip_gen: v7x
topology: tpu7x:2x2x1
jax: 0.10.2.dev20260603
libtpu: 0.0.44.dev20260713+nightly
codegen_flags: <defaults>
</compile_context>

<pallas_src>
import functools

import jax
import jax.numpy as jnp
from jax import lax
from jax.experimental import pallas as pl
from jax.experimental.pallas import tpu as pltpu
from jax.experimental.pallas import tpu_sc as plsc



_REPACK_LANES = 16384


def _repack_body(lo_ref, hi_ref, out_ref):
    xt_lo = jnp.swapaxes(lo_ref[...], 0, 1)
    eye = (jax.lax.broadcasted_iota(jnp.int32, (64, 64), 0) ==
           jax.lax.broadcasted_iota(jnp.int32, (64, 64), 1))
    xt_hi = jax.lax.dot_general(
        hi_ref[...], eye.astype(jnp.float32), (((0,), (0,)), ((), ())),
        preferred_element_type=jnp.float32)
    out_ref[:, 0:64] = xt_lo
    out_ref[:, 64:128] = xt_hi


def _repack_table(table_t):
    e, v = table_t.shape
    lb = _REPACK_LANES
    nblk = -(-v // (2 * lb))
    maxb = (v - 1) // lb
    return pl.pallas_call(
        _repack_body,
        grid=(nblk,),
        in_specs=[
            pl.BlockSpec((e, lb), lambda i: (0, 2 * i)),
            pl.BlockSpec((e, lb),
                         lambda i: (0, jnp.minimum(2 * i + 1, maxb))),
        ],
        out_specs=pl.BlockSpec((lb, 2 * e), lambda i: (i, 0)),
        out_shape=jax.ShapeDtypeStruct((nblk * lb, 2 * e), jnp.float32),
        compiler_params=pltpu.CompilerParams(
            dimension_semantics=("arbitrary",),
            vmem_limit_bytes=100 * 1024 * 1024,
        ),
    )(table_t, table_t)



@functools.lru_cache(maxsize=None)
def _make_gather(batch: int, seq: int, view_rows: int, emb: int):
    info = plsc.get_sparse_core_info()
    nc, ns, nl = info.num_cores, info.num_subcores, info.num_lanes
    nw = nc * ns
    u_steps = seq // 2
    b_per_w = batch // nw
    per_w = b_per_w * u_steps
    assert batch % nw == 0 and seq % 2 == 0 and per_w % nl == 0
    mesh = plsc.VectorSubcoreMesh(core_axis_name="c", subcore_axis_name="s")
    lb = _REPACK_LANES

    @functools.partial(
        pl.kernel,
        mesh=mesh,
        out_type=jax.ShapeDtypeStruct((batch * u_steps, 2 * emb),
                                      jnp.float32),
        scratch_types=[
            pltpu.VMEM((b_per_w, seq), jnp.int32),
            pltpu.VMEM((per_w,), jnp.int32),
            pltpu.VMEM((per_w,), jnp.int32),
            pltpu.VMEM((per_w, emb), jnp.float32),
            pltpu.VMEM((per_w, emb), jnp.float32),
            pltpu.SemaphoreType.DMA,
        ],
        compiler_params=pltpu.CompilerParams(use_tc_tiling_on_sc=False,
                                             needs_layout_passes=False),
    )
    def gather_k(src_hbm, table_hbm, out_hbm, idx_v, idx_e, idx_o,
                 rows_e, rows_o, sem):
        wid = lax.axis_index("s") * nc + lax.axis_index("c")
        pltpu.sync_copy(src_hbm.at[pl.ds(wid * b_per_w, b_per_w)], idx_v)

        sh = lb.bit_length() - 1

        def view_row(i):
            blk_pair = lax.shift_left(
                lax.shift_right_logical(i, sh + 1), sh + 1)
            half = lax.shift_right_logical(i, sh) & 1
            return lax.shift_left(i & (lb - 1), 1) + blk_pair + half

        def perm(chunk, bu):
            b, u = bu
            idx_e[pl.ds(chunk * nl, nl)] = view_row(
                plsc.load_gather(idx_v, [b, 2 * u]))
            idx_o[pl.ds(chunk * nl, nl)] = view_row(
                plsc.load_gather(idx_v, [b, 2 * u + 1]))
            un = u + nl
            wrap = (un >= u_steps).astype(jnp.int32)
            return b + wrap, un - wrap * u_steps

        b0 = jnp.zeros((nl,), jnp.int32)
        u0 = lax.iota(jnp.int32, nl)
        lax.fori_loop(0, per_w // nl, perm, (b0, u0))

        cp_e = pltpu.async_copy(table_hbm.at[idx_e], rows_e, sem)
        cp_o = pltpu.async_copy(table_hbm.at[idx_o], rows_o, sem)
        cp_e.wait()
        cp_o.wait()
        base = wid * per_w
        pltpu.sync_copy(rows_e,
                        out_hbm.at[pl.ds(base, per_w), pl.ds(0, emb)])
        pltpu.sync_copy(rows_o,
                        out_hbm.at[pl.ds(base, per_w), pl.ds(emb, emb)])

    return gather_k



def _lstm_body(emb_ref, wih0d_ref, whh0_ref, b0_ref, w1cat_ref,
               b1_ref, hid_ref, cell_ref, h0, c0, h1, c1):
    u = pl.program_id(0)
    nu = pl.num_programs(0)
    H = h0.shape[1]

    @pl.when(u == 0)
    def _init():
        z = jnp.zeros_like(h0)
        h0[...] = z
        c0[...] = z
        h1[...] = z
        c1[...] = z

    xg = jnp.dot(emb_ref[:, 0, 0, :], wih0d_ref[...],
                 preferred_element_type=jnp.float32)

    def cell_act(gates, c):
        i = jax.nn.sigmoid(gates[:, 0 * H:1 * H])
        f = jax.nn.sigmoid(gates[:, 1 * H:2 * H])
        g = jnp.tanh(gates[:, 2 * H:3 * H])
        o = jax.nn.sigmoid(gates[:, 3 * H:4 * H])
        c_new = f * c + i * g
        h_new = o * jnp.tanh(c_new)
        return h_new, c_new

    h0c, c0c = h0[...], c0[...]
    h1c, c1c = h1[...], c1[...]
    for half in (0, 1):
        gx0 = xg[:, half * 4 * H:(half + 1) * 4 * H]
        gates0 = gx0 + jnp.dot(
            h0c, whh0_ref[...],
            preferred_element_type=jnp.float32) + b0_ref[...]
        h0c, c0c = cell_act(gates0, c0c)
        gates1 = jnp.dot(
            jnp.concatenate([h0c, h1c], axis=1), w1cat_ref[...],
            preferred_element_type=jnp.float32) + b1_ref[...]
        h1c, c1c = cell_act(gates1, c1c)
    h0[...] = h0c
    c0[...] = c0c
    h1[...] = h1c
    c1[...] = c1c

    @pl.when(u == nu - 1)
    def _out():
        hid_ref[0] = h0c
        hid_ref[1] = h1c
        cell_ref[0] = c0c
        cell_ref[1] = c1c


def _run_lstm(emb, wih0d, whh0t, b0, w1cat, b1):
    B, U, _, E2 = emb.shape
    H = whh0t.shape[0]
    full = lambda a: pl.BlockSpec(a.shape, lambda u: (0,) * a.ndim)
    hidden, cell = pl.pallas_call(
        _lstm_body,
        grid=(U,),
        in_specs=[
            pl.BlockSpec((B, 1, 1, E2), lambda u: (0, u, 0, 0)),
            full(wih0d), full(whh0t), full(b0),
            full(w1cat), full(b1),
        ],
        out_specs=[
            pl.BlockSpec((2, B, H), lambda u: (0, 0, 0)),
            pl.BlockSpec((2, B, H), lambda u: (0, 0, 0)),
        ],
        out_shape=[
            jax.ShapeDtypeStruct((2, B, H), jnp.float32),
            jax.ShapeDtypeStruct((2, B, H), jnp.float32),
        ],
        scratch_shapes=[pltpu.VMEM((B, H), jnp.float32) for _ in range(4)],
        compiler_params=pltpu.CompilerParams(
            dimension_semantics=("arbitrary",),
        ),
    )(emb, wih0d, whh0t, b0, w1cat, b1)
    return hidden, cell


def kernel(src, emb_table, W_ih0, W_hh0, b_ih0, b_hh0,
           W_ih1, W_hh1, b_ih1, b_hh1):
    B, T = src.shape
    V, E = emb_table.shape
    H = W_hh0.shape[1]
    U = T // 2

    table_pairs = _repack_table(emb_table.T)
    table_view = table_pairs.reshape(2 * table_pairs.shape[0], E)
    emb_wide = _make_gather(B, T, table_view.shape[0], E)(
        src.astype(jnp.int32), table_view)
    emb = emb_wide.reshape(B, U, 1, 2 * E)

    wih0t = W_ih0.T
    z = jnp.zeros((E, 4 * H), jnp.float32)
    wih0d = jnp.block([[wih0t, z], [z, wih0t]])

    w1cat = jnp.concatenate([W_ih1.T, W_hh1.T], axis=0)
    hidden, cell = _run_lstm(
        emb,
        wih0d, W_hh0.T, (b_ih0 + b_hh0).reshape(1, 4 * H),
        w1cat, (b_ih1 + b_hh1).reshape(1, 4 * H),
    )
    return hidden, cell

# --- scband reference (transcript-rebuilt; emitter-appended) ---
"""Pipeline reference for scband-encoder-19232863552194 (READ-ONLY COPY).

The authoritative reference and input builder live on the scoring server;
editing this copy changes nothing except your own understanding.
"""

import jax, jax.numpy as jnp
import numpy as np

VOCAB = 1000000
EMB = 64
HID = 128
BATCH = 1024
SEQ = 50


def _lstm_layer(x, W_ih, W_hh, b_ih, b_hh):
    # x: [B, T, in]; returns (outputs [B, T, H], h_last [B, H], c_last [B, H])
    B = x.shape[0]
    H = W_hh.shape[1]

    def step(carry, x_t):
        h, c = carry
        gates = x_t @ W_ih.T + h @ W_hh.T + b_ih + b_hh
        i, f, g, o = jnp.split(gates, 4, axis=-1)
        i = jax.nn.sigmoid(i)
        f = jax.nn.sigmoid(f)
        g = jnp.tanh(g)
        o = jax.nn.sigmoid(o)
        c_new = f * c + i * g
        h_new = o * jnp.tanh(c_new)
        return (h_new, c_new), h_new

    h0 = jnp.zeros((B, H), dtype=x.dtype)
    c0 = jnp.zeros((B, H), dtype=x.dtype)
    (h_last, c_last), ys = jax.lax.scan(step, (h0, c0), jnp.swapaxes(x, 0, 1))
    return jnp.swapaxes(ys, 0, 1), h_last, c_last


def setup_inputs(seed: int = 0) -> dict:
    key = jax.random.key(seed)
    ks = jax.random.split(key, 10)
    src = jax.random.randint(ks[0], (BATCH, SEQ), 0, VOCAB, dtype=jnp.int64 if jax.config.read('jax_enable_x64') else jnp.int32)
    s_emb = 1.0
    s0 = 1.0 / np.sqrt(HID)
    emb_table = jax.random.normal(ks[1], (VOCAB, EMB), dtype=jnp.float32) * s_emb
    W_ih0 = jax.random.uniform(ks[2], (4 * HID, EMB), minval=-s0, maxval=s0, dtype=jnp.float32)
    W_hh0 = jax.random.uniform(ks[3], (4 * HID, HID), minval=-s0, maxval=s0, dtype=jnp.float32)
    b_ih0 = jax.random.uniform(ks[4], (4 * HID,), minval=-s0, maxval=s0, dtype=jnp.float32)
    b_hh0 = jax.random.uniform(ks[5], (4 * HID,), minval=-s0, maxval=s0, dtype=jnp.float32)
    W_ih1 = jax.random.uniform(ks[6], (4 * HID, HID), minval=-s0, maxval=s0, dtype=jnp.float32)
    W_hh1 = jax.random.uniform(ks[7], (4 * HID, HID), minval=-s0, maxval=s0, dtype=jnp.float32)
    b_ih1 = jax.random.uniform(ks[8], (4 * HID,), minval=-s0, maxval=s0, dtype=jnp.float32)
    b_hh1 = jax.random.uniform(ks[9], (4 * HID,), minval=-s0, maxval=s0, dtype=jnp.float32)
    return {
        'src': src,
        'emb_table': emb_table,
        'W_ih0': W_ih0, 'W_hh0': W_hh0, 'b_ih0': b_ih0, 'b_hh0': b_hh0,
        'W_ih1': W_ih1, 'W_hh1': W_hh1, 'b_ih1': b_ih1, 'b_hh1': b_hh1,
    }


def reference(src, emb_table, W_ih0, W_hh0, b_ih0, b_hh0, W_ih1, W_hh1, b_ih1, b_hh1):
    # embedding lookup (dropout is identity in eval mode)
    embedded = jnp.take(emb_table, src, axis=0)  # [B, T, EMB]
    out0, h0, c0 = _lstm_layer(embedded, W_ih0, W_hh0, b_ih0, b_hh0)
    # inter-layer dropout is identity in eval mode
    out1, h1, c1 = _lstm_layer(out0, W_ih1, W_hh1, b_ih1, b_hh1)
    hidden = jnp.stack([h0, h1], axis=0)  # [n_layers, B, H]
    cell = jnp.stack([c0, c1], axis=0)    # [n_layers, B, H]
    return hidden, cell

if __name__ == "__main__":
    import jax
    _d = setup_inputs()
    print(jax.jit(kernel)(*tuple(_d.values())))

</pallas_src>

<mosaic_0001>
#map = affine_map<(d0, d1) -> (0, 0)>
module attributes {stable_mosaic.version = 14 : i64} {
  func.func @gather_k(%arg0: i32, %arg1: i32, %arg2: memref<1024x50xi32, #tpu.memory_space<hbm>>, %arg3: memref<1015808x64xf32, #tpu.memory_space<hbm>>, %arg4: memref<25600x128xf32, #tpu.memory_space<hbm>>, %arg5: memref<32x50xi32, #tpu.memory_space<vmem>>, %arg6: memref<800xi32, #tpu.memory_space<vmem>>, %arg7: memref<800xi32, #tpu.memory_space<vmem>>, %arg8: memref<800x64xf32, #tpu.memory_space<vmem>>, %arg9: memref<800x64xf32, #tpu.memory_space<vmem>>, %arg10: memref<!tpu.dma_semaphore, #tpu.memory_space<semaphore_mem>>) attributes {dimension_semantics = [#tpu.dimension_semantics<core_parallel>, #tpu.dimension_semantics<subcore_parallel>], iteration_bounds = array<i64: 2, 16>, scalar_prefetch = 0 : i64, scratch_operands = 6 : i64, tpu.core_type = #tpu.core_type<sc_vector_subcore>, window_params = [{transform_indices = #map}, {transform_indices = #map}, {transform_indices = #map}]} {
    %mul3A = arith.constant 2 : i32
    %mul3A_0 = arith.muli %arg1, %mul3A : i32
    %add3A = arith.addi %mul3A_0, %arg0 : i32
    %mul3A_1 = arith.constant 32 : i32
    %mul3A_2 = arith.muli %add3A, %mul3A_1 : i32
    "tpu.region"() ({
      %run_scoped3A = tpu.sem_alloc : memref<!tpu.dma_semaphore, #tpu.memory_space<semaphore_mem>>
      %dma_start3A_21 = arith.constant 0 : i32
      %dma_start3A_22 = tpu.memref_slice %arg2[%mul3A_2, %dma_start3A_21] : memref<1024x50xi32, #tpu.memory_space<hbm>> -> memref<32x50xi32, #tpu.memory_space<hbm>>
      %dma_start3A_23 = arith.constant 0 : i32
      %dma_start3A_24 = tpu.memref_slice %arg2[%mul3A_2, %dma_start3A_23] : memref<1024x50xi32, #tpu.memory_space<hbm>> -> memref<32x50xi32, #tpu.memory_space<hbm>>
      tpu.enqueue_dma source(%dma_start3A_24 : memref<32x50xi32, #tpu.memory_space<hbm>>) target(%arg5 : memref<32x50xi32, #tpu.memory_space<vmem>>) target_semaphore(%run_scoped3A : memref<!tpu.dma_semaphore, #tpu.memory_space<semaphore_mem>>)
      %dma_wait3A_25 = arith.constant 0 : i32
      %dma_wait3A_26 = tpu.memref_slice %arg2[%mul3A_2, %dma_wait3A_25] : memref<1024x50xi32, #tpu.memory_space<hbm>> -> memref<32x50xi32, #tpu.memory_space<hbm>>
      %dma_wait3A_27 = arith.constant 0 : i32
      %dma_wait3A_28 = tpu.memref_slice %arg2[%mul3A_2, %dma_wait3A_27] : memref<1024x50xi32, #tpu.memory_space<hbm>> -> memref<32x50xi32, #tpu.memory_space<hbm>>
      tpu.wait_dma2 semaphore(%run_scoped3A : memref<!tpu.dma_semaphore, #tpu.memory_space<semaphore_mem>>) src(%dma_wait3A_28 : memref<32x50xi32, #tpu.memory_space<hbm>>) dst(%arg5 : memref<32x50xi32, #tpu.memory_space<vmem>>)
      tpu.yield
    }) : () -> ()
    %broadcast_in_dim3A = arith.constant 0 : i32
    %broadcast_in_dim3A_3 = vector.broadcast %broadcast_in_dim3A : i32 to vector<16xi32>
    %iota3A = tpu.iota {dimensions = array<i32: 0>} : vector<16xi32>
    %scan3A = arith.constant 0 : i32
    %scan3A_4 = arith.constant 50 : i32
    %scan3A_5 = arith.addi %scan3A, %scan3A_4 : i32
    %scan3A_6 = arith.constant 1 : i32
    %scan3A_7:2 = scf.for %scan3A_21 = %scan3A to %scan3A_5 step %scan3A_6 iter_args(%scan3A_22 = %broadcast_in_dim3A_3, %scan3A_23 = %iota3A) -> (vector<16xi32>, vector<16xi32>)  : i32 {
      %mul3A_24 = arith.constant 2 : i32
      %mul3A_25 = vector.broadcast %mul3A_24 : i32 to vector<16xi32>
      %mul3A_26 = arith.muli %mul3A_25, %scan3A_23 : vector<16xi32>
      %gather3A = tpu.vector_load_idx %arg5[%scan3A_22, %mul3A_26] : memref<32x50xi32, #tpu.memory_space<vmem>>[vector<16xi32>, vector<16xi32>], vector<16xi32>,
      %shift_right_logical3A = arith.constant 15 : i32
      %shift_right_logical3A_27 = vector.broadcast %shift_right_logical3A : i32 to vector<16xi32>
      %shift_right_logical3A_28 = arith.shrui %gather3A, %shift_right_logical3A_27 : vector<16xi32>
      %shift_left3A = arith.constant 15 : i32
      %shift_left3A_29 = vector.broadcast %shift_left3A : i32 to vector<16xi32>
      %shift_left3A_30 = arith.shli %shift_right_logical3A_28, %shift_left3A_29 : vector<16xi32>
      %shift_right_logical3A_31 = arith.constant 14 : i32
      %shift_right_logical3A_32 = vector.broadcast %shift_right_logical3A_31 : i32 to vector<16xi32>
      %shift_right_logical3A_33 = arith.shrui %gather3A, %shift_right_logical3A_32 : vector<16xi32>
      %and3A = arith.constant 1 : i32
      %and3A_34 = vector.broadcast %and3A : i32 to vector<16xi32>
      %and3A_35 = arith.andi %shift_right_logical3A_33, %and3A_34 : vector<16xi32>
      %and3A_36 = arith.constant 16383 : i32
      %and3A_37 = vector.broadcast %and3A_36 : i32 to vector<16xi32>
      %and3A_38 = arith.andi %gather3A, %and3A_37 : vector<16xi32>
      %shift_left3A_39 = arith.constant 1 : i32
      %shift_left3A_40 = vector.broadcast %shift_left3A_39 : i32 to vector<16xi32>
      %shift_left3A_41 = arith.shli %and3A_38, %shift_left3A_40 : vector<16xi32>
      %add3A_42 = arith.addi %shift_left3A_41, %shift_left3A_30 : vector<16xi32>
      %add3A_43 = arith.addi %add3A_42, %and3A_35 : vector<16xi32>
      %mul3A_44 = arith.constant 16 : i32
      %mul3A_45 = arith.muli %scan3A_21, %mul3A_44 : i32
      %swap3A = arith.index_cast %mul3A_45 : i32 to index
      %swap3A_46 = tpu.vector_load %arg6[%swap3A] {strides = array<i32>} : memref<800xi32, #tpu.memory_space<vmem>>, vector<16xi32>,
      tpu.vector_store %arg6[%swap3A], %add3A_43 {strides = array<i32>} : memref<800xi32, #tpu.memory_space<vmem>>, vector<16xi32>,
      %mul3A_47 = arith.constant 2 : i32
      %mul3A_48 = vector.broadcast %mul3A_47 : i32 to vector<16xi32>
      %mul3A_49 = arith.muli %mul3A_48, %scan3A_23 : vector<16xi32>
      %add3A_50 = arith.constant 1 : i32
      %add3A_51 = vector.broadcast %add3A_50 : i32 to vector<16xi32>
      %add3A_52 = arith.addi %mul3A_49, %add3A_51 : vector<16xi32>
      %gather3A_53 = tpu.vector_load_idx %arg5[%scan3A_22, %add3A_52] : memref<32x50xi32, #tpu.memory_space<vmem>>[vector<16xi32>, vector<16xi32>], vector<16xi32>,
      %shift_right_logical3A_54 = arith.constant 15 : i32
      %shift_right_logical3A_55 = vector.broadcast %shift_right_logical3A_54 : i32 to vector<16xi32>
      %shift_right_logical3A_56 = arith.shrui %gather3A_53, %shift_right_logical3A_55 : vector<16xi32>
      %shift_left3A_57 = arith.constant 15 : i32
      %shift_left3A_58 = vector.broadcast %shift_left3A_57 : i32 to vector<16xi32>
      %shift_left3A_59 = arith.shli %shift_right_logical3A_56, %shift_left3A_58 : vector<16xi32>
      %shift_right_logical3A_60 = arith.constant 14 : i32
      %shift_right_logical3A_61 = vector.broadcast %shift_right_logical3A_60 : i32 to vector<16xi32>
      %shift_right_logical3A_62 = arith.shrui %gather3A_53, %shift_right_logical3A_61 : vector<16xi32>
      %and3A_63 = arith.constant 1 : i32
      %and3A_64 = vector.broadcast %and3A_63 : i32 to vector<16xi32>
      %and3A_65 = arith.andi %shift_right_logical3A_62, %and3A_64 : vector<16xi32>
      %and3A_66 = arith.constant 16383 : i32
      %and3A_67 = vector.broadcast %and3A_66 : i32 to vector<16xi32>
      %and3A_68 = arith.andi %gather3A_53, %and3A_67 : vector<16xi32>
      %shift_left3A_69 = arith.constant 1 : i32
      %shift_left3A_70 = vector.broadcast %shift_left3A_69 : i32 to vector<16xi32>
      %shift_left3A_71 = arith.shli %and3A_68, %shift_left3A_70 : vector<16xi32>
      %add3A_72 = arith.addi %shift_left3A_71, %shift_left3A_59 : vector<16xi32>
      %add3A_73 = arith.addi %add3A_72, %and3A_65 : vector<16xi32>
      %mul3A_74 = arith.constant 16 : i32
      %mul3A_75 = arith.muli %scan3A_21, %mul3A_74 : i32
      %swap3A_76 = arith.index_cast %mul3A_75 : i32 to index
      %swap3A_77 = tpu.vector_load %arg7[%swap3A_76] {strides = array<i32>} : memref<800xi32, #tpu.memory_space<vmem>>, vector<16xi32>,
      tpu.vector_store %arg7[%swap3A_76], %add3A_73 {strides = array<i32>} : memref<800xi32, #tpu.memory_space<vmem>>, vector<16xi32>,
      %add3A_78 = arith.constant 16 : i32
      %add3A_79 = vector.broadcast %add3A_78 : i32 to vector<16xi32>
      %add3A_80 = arith.addi %scan3A_23, %add3A_79 : vector<16xi32>
      %ge3A = arith.constant 25 : i32
      %ge3A_81 = vector.broadcast %ge3A : i32 to vector<16xi32>
      %ge3A_82 = arith.cmpi sge, %add3A_80, %ge3A_81 : vector<16xi32>
      %convert_element_type3A = arith.extui %ge3A_82 : vector<16xi1> to vector<16xi32>
      %add3A_83 = arith.addi %scan3A_22, %convert_element_type3A : vector<16xi32>
      %mul3A_84 = arith.constant 25 : i32
      %mul3A_85 = vector.broadcast %mul3A_84 : i32 to vector<16xi32>
      %mul3A_86 = arith.muli %convert_element_type3A, %mul3A_85 : vector<16xi32>
      %sub3A = arith.subi %add3A_80, %mul3A_86 : vector<16xi32>
      scf.yield %add3A_83, %sub3A : vector<16xi32>, vector<16xi32>
    }
    %scan3A_8 = arith.constant 50 : i32
    %dma_start3A = arith.constant 0 : i32
    %dma_start3A_9 = arith.constant 0 : i32
    %dma_start3A_10 = tpu.memref_slice %arg3[%dma_start3A, %dma_start3A_9] : memref<1015808x64xf32, #tpu.memory_space<hbm>> -> memref<1015808x64xf32, #tpu.memory_space<hbm>>
    tpu.enqueue_indirect_dma source(%dma_start3A_10 : memref<1015808x64xf32, #tpu.memory_space<hbm>>) target(%arg8 : memref<800x64xf32, #tpu.memory_space<vmem>>) offsets(%arg6 : memref<800xi32, #tpu.memory_space<vmem>>) semaphore(%arg10 : memref<!tpu.dma_semaphore, #tpu.memory_space<semaphore_mem>>)
    %dma_start3A_11 = arith.constant 0 : i32
    %dma_start3A_12 = arith.constant 0 : i32
    %dma_start3A_13 = tpu.memref_slice %arg3[%dma_start3A_11, %dma_start3A_12] : memref<1015808x64xf32, #tpu.memory_space<hbm>> -> memref<1015808x64xf32, #tpu.memory_space<hbm>>
    tpu.enqueue_indirect_dma source(%dma_start3A_13 : memref<1015808x64xf32, #tpu.memory_space<hbm>>) target(%arg9 : memref<800x64xf32, #tpu.memory_space<vmem>>) offsets(%arg7 : memref<800xi32, #tpu.memory_space<vmem>>) semaphore(%arg10 : memref<!tpu.dma_semaphore, #tpu.memory_space<semaphore_mem>>)
    %dma_wait3A = arith.constant 0 : i32
    %dma_wait3A_14 = arith.constant 0 : i32
    %dma_wait3A_15 = tpu.memref_slice %arg3[%dma_wait3A, %dma_wait3A_14] : memref<1015808x64xf32, #tpu.memory_space<hbm>> -> memref<1015808x64xf32, #tpu.memory_space<hbm>>
    tpu.wait_indirect_dma semaphore(%arg10 : memref<!tpu.dma_semaphore, #tpu.memory_space<semaphore_mem>>) src(%dma_wait3A_15 : memref<1015808x64xf32, #tpu.memory_space<hbm>>) dst(%arg8 : memref<800x64xf32, #tpu.memory_space<vmem>>)
    %dma_wait3A_16 = arith.constant 0 : i32
    %dma_wait3A_17 = arith.constant 0 : i32
    %dma_wait3A_18 = tpu.memref_slice %arg3[%dma_wait3A_16, %dma_wait3A_17] : memref<1015808x64xf32, #tpu.memory_space<hbm>> -> memref<1015808x64xf32, #tpu.memory_space<hbm>>
    tpu.wait_indirect_dma semaphore(%arg10 : memref<!tpu.dma_semaphore, #tpu.memory_space<semaphore_mem>>) src(%dma_wait3A_18 : memref<1015808x64xf32, #tpu.memory_space<hbm>>) dst(%arg9 : memref<800x64xf32, #tpu.memory_space<vmem>>)
    %mul3A_19 = arith.constant 800 : i32
    %mul3A_20 = arith.muli %add3A, %mul3A_19 : i32
    "tpu.region"() ({
      %run_scoped3A = tpu.sem_alloc : memref<!tpu.dma_semaphore, #tpu.memory_space<semaphore_mem>>
      %dma_start3A_21 = arith.constant 0 : i32
      %dma_start3A_22 = tpu.memref_slice %arg4[%mul3A_20, %dma_start3A_21] : memref<25600x128xf32, #tpu.memory_space<hbm>> -> memref<800x64xf32, #tpu.memory_space<hbm>>
      %dma_start3A_23 = arith.constant 0 : i32
      %dma_start3A_24 = tpu.memref_slice %arg4[%mul3A_20, %dma_start3A_23] : memref<25600x128xf32, #tpu.memory_space<hbm>> -> memref<800x64xf32, #tpu.memory_space<hbm>>
      tpu.enqueue_dma source(%arg8 : memref<800x64xf32, #tpu.memory_space<vmem>>) target(%dma_start3A_24 : memref<800x64xf32, #tpu.memory_space<hbm>>) target_semaphore(%run_scoped3A : memref<!tpu.dma_semaphore, #tpu.memory_space<semaphore_mem>>)
      %dma_wait3A_25 = arith.constant 0 : i32
      %dma_wait3A_26 = tpu.memref_slice %arg4[%mul3A_20, %dma_wait3A_25] : memref<25600x128xf32, #tpu.memory_space<hbm>> -> memref<800x64xf32, #tpu.memory_space<hbm>>
      %dma_wait3A_27 = arith.constant 0 : i32
      %dma_wait3A_28 = tpu.memref_slice %arg4[%mul3A_20, %dma_wait3A_27] : memref<25600x128xf32, #tpu.memory_space<hbm>> -> memref<800x64xf32, #tpu.memory_space<hbm>>
      tpu.wait_dma2 semaphore(%run_scoped3A : memref<!tpu.dma_semaphore, #tpu.memory_space<semaphore_mem>>) src(%arg8 : memref<800x64xf32, #tpu.memory_space<vmem>>) dst(%dma_wait3A_28 : memref<800x64xf32, #tpu.memory_space<hbm>>)
      tpu.yield
    }) : () -> ()
    "tpu.region"() ({
      %run_scoped3A = tpu.sem_alloc : memref<!tpu.dma_semaphore, #tpu.memory_space<semaphore_mem>>
      %dma_start3A_21 = arith.constant 64 : i32
      %dma_start3A_22 = tpu.memref_slice %arg4[%mul3A_20, %dma_start3A_21] : memref<25600x128xf32, #tpu.memory_space<hbm>> -> memref<800x64xf32, #tpu.memory_space<hbm>>
      %dma_start3A_23 = arith.constant 64 : i32
      %dma_start3A_24 = tpu.memref_slice %arg4[%mul3A_20, %dma_start3A_23] : memref<25600x128xf32, #tpu.memory_space<hbm>> -> memref<800x64xf32, #tpu.memory_space<hbm>>
      tpu.enqueue_dma source(%arg9 : memref<800x64xf32, #tpu.memory_space<vmem>>) target(%dma_start3A_24 : memref<800x64xf32, #tpu.memory_space<hbm>>) target_semaphore(%run_scoped3A : memref<!tpu.dma_semaphore, #tpu.memory_space<semaphore_mem>>)
      %dma_wait3A_25 = arith.constant 64 : i32
      %dma_wait3A_26 = tpu.memref_slice %arg4[%mul3A_20, %dma_wait3A_25] : memref<25600x128xf32, #tpu.memory_space<hbm>> -> memref<800x64xf32, #tpu.memory_space<hbm>>
      %dma_wait3A_27 = arith.constant 64 : i32
      %dma_wait3A_28 = tpu.memref_slice %arg4[%mul3A_20, %dma_wait3A_27] : memref<25600x128xf32, #tpu.memory_space<hbm>> -> memref<800x64xf32, #tpu.memory_space<hbm>>
      tpu.wait_dma2 semaphore(%run_scoped3A : memref<!tpu.dma_semaphore, #tpu.memory_space<semaphore_mem>>) src(%arg9 : memref<800x64xf32, #tpu.memory_space<vmem>>) dst(%dma_wait3A_28 : memref<800x64xf32, #tpu.memory_space<hbm>>)
      tpu.yield
    }) : () -> ()
    return
  }
}

module attributes {stable_mosaic.version = 14 : i64} {
  func.func @_repack_body(%arg0: i32, %arg1: memref<64x16384xf32, #tpu.memory_space<vmem>>, %arg2: memref<64x16384xf32, #tpu.memory_space<vmem>>, %arg3: memref<16384x128xf32, #tpu.memory_space<vmem>>) attributes {dimension_semantics = [#tpu.dimension_semantics<arbitrary>], iteration_bounds = array<i64: 31>, scalar_prefetch = 0 : i64, scratch_operands = 0 : i64, tpu.core_type = #tpu.core_type<tc>, window_params = [{transform_indices = @transform_0, window_bounds = array<i64: 64, 16384>}, {transform_indices = @transform_1, window_bounds = array<i64: 64, 16384>}, {transform_indices = @transform_2, window_bounds = array<i64: 16384, 128>}]} {
    %get3A = arith.constant 0 : index
    %get3A_0 = arith.constant 0 : index
    %get3A_1 = vector.load %arg1[%get3A, %get3A_0] : memref<64x16384xf32, #tpu.memory_space<vmem>>, vector<64x16384xf32>
    %transpose3A = tpu.transpose %get3A_1, [1, 0] : vector<64x16384xf32> -> vector<16384x64xf32>
    %iota3A = tpu.iota {dimensions = array<i32: 0>} : vector<64x64xi32>
    %iota3A_2 = tpu.iota {dimensions = array<i32: 1>} : vector<64x64xi32>
    %eq3A = arith.cmpi eq, %iota3A, %iota3A_2 : vector<64x64xi32>
    %get3A_3 = arith.constant 0 : index
    %get3A_4 = arith.constant 0 : index
    %get3A_5 = vector.load %arg2[%get3A_3, %get3A_4] : memref<64x16384xf32, #tpu.memory_space<vmem>>, vector<64x16384xf32>
    %convert_element_type3A = arith.extui %eq3A : vector<64x64xi1> to vector<64x64xi32>
    %convert_element_type3A_6 = arith.sitofp %convert_element_type3A : vector<64x64xi32> to vector<64x64xf32>
    %dot_general3A = arith.constant dense<0.000000e+00> : vector<16384x64xf32>
    %dot_general3A_7 = tpu.matmul %get3A_5, %convert_element_type3A_6, %dot_general3A {dimension_numbers = #tpu.dot_dimension_numbers<[0], [0], [1], [1], [0, 1, 1, 1], [], []>, transpose_lhs_hint = false} : vector<64x16384xf32>, vector<64x64xf32>, vector<16384x64xf32> -> vector<16384x64xf32>
    %swap3A = arith.constant 0 : index
    %swap3A_8 = arith.constant 0 : index
    %swap3A_9 = vector.load %arg3[%swap3A, %swap3A_8] : memref<16384x128xf32, #tpu.memory_space<vmem>>, vector<16384x64xf32>
    tpu.vector_store %arg3[%swap3A, %swap3A_8], %transpose3A {strides = array<i32>} : memref<16384x128xf32, #tpu.memory_space<vmem>>, vector<16384x64xf32>,
    %swap3A_10 = arith.constant 0 : index
    %swap3A_11 = arith.constant 64 : index
    %swap3A_12 = vector.load %arg3[%swap3A_10, %swap3A_11] : memref<16384x128xf32, #tpu.memory_space<vmem>>, vector<16384x64xf32>
    tpu.vector_store %arg3[%swap3A_10, %swap3A_11], %dot_general3A_7 {strides = array<i32>} : memref<16384x128xf32, #tpu.memory_space<vmem>>, vector<16384x64xf32>,
    return
  }
  func.func @transform_0(%arg0: i32) -> (i32, i32) {
    %mul3A = arith.constant 2 : i32
    %mul3A_0 = arith.muli %mul3A, %arg0 : i32
    %c0_i32 = arith.constant 0 : i32
    %c0_i32_1 = arith.constant 0 : i32
    return %c0_i32, %mul3A_0 : i32, i32
  }
  func.func @transform_1(%arg0: i32) -> (i32, i32) {
    %mul3A = arith.constant 2 : i32
    %mul3A_0 = arith.muli %mul3A, %arg0 : i32
    %add3A = arith.constant 1 : i32
    %add3A_1 = arith.addi %mul3A_0, %add3A : i32
    %min3A = arith.constant 61 : i32
    %min3A_2 = arith.minsi %add3A_1, %min3A : i32
    %c0_i32 = arith.constant 0 : i32
    %c0_i32_3 = arith.constant 0 : i32
    return %c0_i32, %min3A_2 : i32, i32
  }
  func.func @transform_2(%arg0: i32) -> (i32, i32) {
    %c0_i32 = arith.constant 0 : i32
    %c0_i32_0 = arith.constant 0 : i32
    return %arg0, %c0_i32 : i32, i32
  }
}

module attributes {stable_mosaic.version = 14 : i64} {
  func.func @_lstm_body(%arg0: i32, %arg1: memref<1024x1x1x128xf32, #tpu.memory_space<vmem>>, %arg2: memref<128x1024xf32, #tpu.memory_space<vmem>>, %arg3: memref<128x512xf32, #tpu.memory_space<vmem>>, %arg4: memref<1x512xf32, #tpu.memory_space<vmem>>, %arg5: memref<256x512xf32, #tpu.memory_space<vmem>>, %arg6: memref<1x512xf32, #tpu.memory_space<vmem>>, %arg7: memref<2x1024x128xf32, #tpu.memory_space<vmem>>, %arg8: memref<2x1024x128xf32, #tpu.memory_space<vmem>>, %arg9: memref<1024x128xf32, #tpu.memory_space<vmem>>, %arg10: memref<1024x128xf32, #tpu.memory_space<vmem>>, %arg11: memref<1024x128xf32, #tpu.memory_space<vmem>>, %arg12: memref<1024x128xf32, #tpu.memory_space<vmem>>) attributes {dimension_semantics = [#tpu.dimension_semantics<arbitrary>], iteration_bounds = array<i64: 25>, scalar_prefetch = 0 : i64, scratch_operands = 4 : i64, tpu.core_type = #tpu.core_type<tc>, window_params = [{transform_indices = @transform_0, window_bounds = array<i64: 1024, 1, 1, 128>}, {pipeline_mode = #tpu.pipeline_mode<synchronous>, transform_indices = @transform_1, window_bounds = array<i64: 128, 1024>}, {pipeline_mode = #tpu.pipeline_mode<synchronous>, transform_indices = @transform_2, window_bounds = array<i64: 128, 512>}, {pipeline_mode = #tpu.pipeline_mode<synchronous>, transform_indices = @transform_3, window_bounds = array<i64: 1, 512>}, {pipeline_mode = #tpu.pipeline_mode<synchronous>, transform_indices = @transform_4, window_bounds = array<i64: 256, 512>}, {pipeline_mode = #tpu.pipeline_mode<synchronous>, transform_indices = @transform_5, window_bounds = array<i64: 1, 512>}, {pipeline_mode = #tpu.pipeline_mode<synchronous>, transform_indices = @transform_6, window_bounds = array<i64: 2, 1024, 128>}, {pipeline_mode = #tpu.pipeline_mode<synchronous>, transform_indices = @transform_7, window_bounds = array<i64: 2, 1024, 128>}]} {
    %eq3A = arith.constant 0 : i32
    %eq3A_0 = arith.cmpi eq, %arg0, %eq3A : i32
    %convert_element_type3A = arith.extui %eq3A_0 : i1 to i32
    %cond3A = arith.constant 0 : i32
    %cond3A_1 = arith.cmpi ne, %convert_element_type3A, %cond3A : i32
    scf.if %cond3A_1 {
      %broadcast_in_dim3A = arith.constant 0.000000e+00 : f32
      %broadcast_in_dim3A_191 = vector.broadcast %broadcast_in_dim3A : f32 to vector<1024x128xf32>
      %swap3A_192 = arith.constant 0 : index
      %swap3A_193 = arith.constant 0 : index
      %swap3A_194 = vector.load %arg9[%swap3A_192, %swap3A_193] : memref<1024x128xf32, #tpu.memory_space<vmem>>, vector<1024x128xf32>
      tpu.vector_store %arg9[%swap3A_192, %swap3A_193], %broadcast_in_dim3A_191 {strides = array<i32>} : memref<1024x128xf32, #tpu.memory_space<vmem>>, vector<1024x128xf32>,
      %swap3A_195 = arith.constant 0 : index
      %swap3A_196 = arith.constant 0 : index
      %swap3A_197 = vector.load %arg10[%swap3A_195, %swap3A_196] : memref<1024x128xf32, #tpu.memory_space<vmem>>, vector<1024x128xf32>
      tpu.vector_store %arg10[%swap3A_195, %swap3A_196], %broadcast_in_dim3A_191 {strides = array<i32>} : memref<1024x128xf32, #tpu.memory_space<vmem>>, vector<1024x128xf32>,
      %swap3A_198 = arith.constant 0 : index
      %swap3A_199 = arith.constant 0 : index
      %swap3A_200 = vector.load %arg11[%swap3A_198, %swap3A_199] : memref<1024x128xf32, #tpu.memory_space<vmem>>, vector<1024x128xf32>
      tpu.vector_store %arg11[%swap3A_198, %swap3A_199], %broadcast_in_dim3A_191 {strides = array<i32>} : memref<1024x128xf32, #tpu.memory_space<vmem>>, vector<1024x128xf32>,
      %swap3A_201 = arith.constant 0 : index
      %swap3A_202 = arith.constant 0 : index
      %swap3A_203 = vector.load %arg12[%swap3A_201, %swap3A_202] : memref<1024x128xf32, #tpu.memory_space<vmem>>, vector<1024x128xf32>
      tpu.vector_store %arg12[%swap3A_201, %swap3A_202], %broadcast_in_dim3A_191 {strides = array<i32>} : memref<1024x128xf32, #tpu.memory_space<vmem>>, vector<1024x128xf32>,
    } else {
    }
    %get3A = arith.constant 0 : index
    %get3A_2 = arith.constant 0 : index
    %get3A_3 = arith.constant 0 : index
    %get3A_4 = arith.constant 0 : index
    %get3A_5 = vector.load %arg1[%get3A, %get3A_2, %get3A_3, %get3A_4] : memref<1024x1x1x128xf32, #tpu.memory_space<vmem>>, vector<1024x1x1x128xf32>
    %get3A_6 = vector.shape_cast %get3A_5 : vector<1024x1x1x128xf32> to vector<1024x128xf32>
    %get3A_7 = arith.constant 0 : index
    %get3A_8 = arith.constant 0 : index
    %get3A_9 = vector.load %arg2[%get3A_7, %get3A_8] : memref<128x1024xf32, #tpu.memory_space<vmem>>, vector<128x1024xf32>
    %dot_general3A = arith.constant dense<0.000000e+00> : vector<1024x1024xf32>
    %dot_general3A_10 = tpu.matmul %get3A_6, %get3A_9, %dot_general3A {dimension_numbers = #tpu.dot_dimension_numbers<[1], [0], [0], [1], [0, 0, 1, 1], [], []>, transpose_lhs_hint = false} : vector<1024x128xf32>, vector<128x1024xf32>, vector<1024x1024xf32> -> vector<1024x1024xf32>
    %get3A_11 = arith.constant 0 : index
    %get3A_12 = arith.constant 0 : index
    %get3A_13 = vector.load %arg9[%get3A_11, %get3A_12] : memref<1024x128xf32, #tpu.memory_space<vmem>>, vector<1024x128xf32>
    %get3A_14 = arith.constant 0 : index
    %get3A_15 = arith.constant 0 : index
    %get3A_16 = vector.load %arg10[%get3A_14, %get3A_15] : memref<1024x128xf32, #tpu.memory_space<vmem>>, vector<1024x128xf32>
    %get3A_17 = arith.constant 0 : index
    %get3A_18 = arith.constant 0 : index
    %get3A_19 = vector.load %arg11[%get3A_17, %get3A_18] : memref<1024x128xf32, #tpu.memory_space<vmem>>, vector<1024x128xf32>
    %get3A_20 = arith.constant 0 : index
    %get3A_21 = arith.constant 0 : index
    %get3A_22 = vector.load %arg12[%get3A_20, %get3A_21] : memref<1024x128xf32, #tpu.memory_space<vmem>>, vector<1024x128xf32>
    %slice3A = vector.extract_strided_slice %dot_general3A_10 {offsets = [0, 0], sizes = [1024, 512], strides = [1, 1]} : vector<1024x1024xf32> to vector<1024x512xf32>
    %get3A_23 = arith.constant 0 : index
    %get3A_24 = arith.constant 0 : index
    %get3A_25 = vector.load %arg3[%get3A_23, %get3A_24] : memref<128x512xf32, #tpu.memory_space<vmem>>, vector<128x512xf32>
    %dot_general3A_26 = arith.constant dense<0.000000e+00> : vector<1024x512xf32>
    %dot_general3A_27 = tpu.matmul %get3A_13, %get3A_25, %dot_general3A_26 {dimension_numbers = #tpu.dot_dimension_numbers<[1], [0], [0], [1], [0, 0, 1, 1], [], []>, transpose_lhs_hint = false} : vector<1024x128xf32>, vector<128x512xf32>, vector<1024x512xf32> -> vector<1024x512xf32>
    %add3A = arith.addf %slice3A, %dot_general3A_27 : vector<1024x512xf32>
    %get3A_28 = arith.constant 0 : index
    %get3A_29 = arith.constant 0 : index
    %get3A_30 = vector.load %arg4[%get3A_28, %get3A_29] : memref<1x512xf32, #tpu.memory_space<vmem>>, vector<1x512xf32>
    %add3A_31 = vector.broadcast %get3A_30 : vector<1x512xf32> to vector<1024x512xf32>
    %add3A_32 = arith.addf %add3A, %add3A_31 : vector<1024x512xf32>
    %slice3A_33 = vector.extract_strided_slice %add3A_32 {offsets = [0, 0], sizes = [1024, 128], strides = [1, 1]} : vector<1024x512xf32> to vector<1024x128xf32>
    %logistic3A = arith.negf %slice3A_33 : vector<1024x128xf32>
    %logistic3A_34 = math.exp %logistic3A : vector<1024x128xf32>
    %logistic3A_35 = arith.constant 1.000000e+00 : f32
    %logistic3A_36 = vector.broadcast %logistic3A_35 : f32 to vector<1024x128xf32>
    %logistic3A_37 = arith.addf %logistic3A_36, %logistic3A_34 : vector<1024x128xf32>
    %logistic3A_38 = arith.divf %logistic3A_36, %logistic3A_37 : vector<1024x128xf32>
    %slice3A_39 = vector.extract_strided_slice %add3A_32 {offsets = [0, 128], sizes = [1024, 128], strides = [1, 1]} : vector<1024x512xf32> to vector<1024x128xf32>
    %logistic3A_40 = arith.negf %slice3A_39 : vector<1024x128xf32>
    %logistic3A_41 = math.exp %logistic3A_40 : vector<1024x128xf32>
    %logistic3A_42 = arith.constant 1.000000e+00 : f32
    %logistic3A_43 = vector.broadcast %logistic3A_42 : f32 to vector<1024x128xf32>
    %logistic3A_44 = arith.addf %logistic3A_43, %logistic3A_41 : vector<1024x128xf32>
    %logistic3A_45 = arith.divf %logistic3A_43, %logistic3A_44 : vector<1024x128xf32>
    %slice3A_46 = vector.extract_strided_slice %add3A_32 {offsets = [0, 256], sizes = [1024, 128], strides = [1, 1]} : vector<1024x512xf32> to vector<1024x128xf32>
    %tanh3A = math.tanh %slice3A_46 : vector<1024x128xf32>
    %slice3A_47 = vector.extract_strided_slice %add3A_32 {offsets = [0, 384], sizes = [1024, 128], strides = [1, 1]} : vector<1024x512xf32> to vector<1024x128xf32>
    %logistic3A_48 = arith.negf %slice3A_47 : vector<1024x128xf32>
    %logistic3A_49 = math.exp %logistic3A_48 : vector<1024x128xf32>
    %logistic3A_50 = arith.constant 1.000000e+00 : f32
    %logistic3A_51 = vector.broadcast %logistic3A_50 : f32 to vector<1024x128xf32>
    %logistic3A_52 = arith.addf %logistic3A_51, %logistic3A_49 : vector<1024x128xf32>
    %logistic3A_53 = arith.divf %logistic3A_51, %logistic3A_52 : vector<1024x128xf32>
    %mul3A = arith.mulf %logistic3A_45, %get3A_16 : vector<1024x128xf32>
    %mul3A_54 = arith.mulf %logistic3A_38, %tanh3A : vector<1024x128xf32>
    %add3A_55 = arith.addf %mul3A, %mul3A_54 : vector<1024x128xf32>
    %tanh3A_56 = math.tanh %add3A_55 : vector<1024x128xf32>
    %mul3A_57 = arith.mulf %logistic3A_53, %tanh3A_56 : vector<1024x128xf32>
    %concatenate3A = tpu.concatenate %mul3A_57, %get3A_19 in 1 : vector<1024x128xf32>, vector<1024x128xf32> -> vector<1024x256xf32>
    %get3A_58 = arith.constant 0 : index
    %get3A_59 = arith.constant 0 : index
    %get3A_60 = vector.load %arg5[%get3A_58, %get3A_59] : memref<256x512xf32, #tpu.memory_space<vmem>>, vector<256x512xf32>
    %dot_general3A_61 = arith.constant dense<0.000000e+00> : vector<1024x512xf32>
    %dot_general3A_62 = tpu.matmul %concatenate3A, %get3A_60, %dot_general3A_61 {dimension_numbers = #tpu.dot_dimension_numbers<[1], [0], [0], [1], [0, 0, 1, 1], [], []>, transpose_lhs_hint = false} : vector<1024x256xf32>, vector<256x512xf32>, vector<1024x512xf32> -> vector<1024x512xf32>
    %get3A_63 = arith.constant 0 : index
    %get3A_64 = arith.constant 0 : index
    %get3A_65 = vector.load %arg6[%get3A_63, %get3A_64] : memref<1x512xf32, #tpu.memory_space<vmem>>, vector<1x512xf32>
    %add3A_66 = vector.broadcast %get3A_65 : vector<1x512xf32> to vector<1024x512xf32>
    %add3A_67 = arith.addf %dot_general3A_62, %add3A_66 : vector<1024x512xf32>
    %slice3A_68 = vector.extract_strided_slice %add3A_67 {offsets = [0, 0], sizes = [1024, 128], strides = [1, 1]} : vector<1024x512xf32> to vector<1024x128xf32>
    %logistic3A_69 = arith.negf %slice3A_68 : vector<1024x128xf32>
    %logistic3A_70 = math.exp %logistic3A_69 : vector<1024x128xf32>
    %logistic3A_71 = arith.constant 1.000000e+00 : f32
    %logistic3A_72 = vector.broadcast %logistic3A_71 : f32 to vector<1024x128xf32>
    %logistic3A_73 = arith.addf %logistic3A_72, %logistic3A_70 : vector<1024x128xf32>
    %logistic3A_74 = arith.divf %logistic3A_72, %logistic3A_73 : vector<1024x128xf32>
    %slice3A_75 = vector.extract_strided_slice %add3A_67 {offsets = [0, 128], sizes = [1024, 128], strides = [1, 1]} : vector<1024x512xf32> to vector<1024x128xf32>
    %logistic3A_76 = arith.negf %slice3A_75 : vector<1024x128xf32>
    %logistic3A_77 = math.exp %logistic3A_76 : vector<1024x128xf32>
    %logistic3A_78 = arith.constant 1.000000e+00 : f32
    %logistic3A_79 = vector.broadcast %logistic3A_78 : f32 to vector<1024x128xf32>
    %logistic3A_80 = arith.addf %logistic3A_79, %logistic3A_77 : vector<1024x128xf32>
    %logistic3A_81 = arith.divf %logistic3A_79, %logistic3A_80 : vector<1024x128xf32>
    %slice3A_82 = vector.extract_strided_slice %add3A_67 {offsets = [0, 256], sizes = [1024, 128], strides = [1, 1]} : vector<1024x512xf32> to vector<1024x128xf32>
    %tanh3A_83 = math.tanh %slice3A_82 : vector<1024x128xf32>
    %slice3A_84 = vector.extract_strided_slice %add3A_67 {offsets = [0, 384], sizes = [1024, 128], strides = [1, 1]} : vector<1024x512xf32> to vector<1024x128xf32>
    %logistic3A_85 = arith.negf %slice3A_84 : vector<1024x128xf32>
    %logistic3A_86 = math.exp %logistic3A_85 : vector<1024x128xf32>
    %logistic3A_87 = arith.constant 1.000000e+00 : f32
    %logistic3A_88 = vector.broadcast %logistic3A_87 : f32 to vector<1024x128xf32>
    %logistic3A_89 = arith.addf %logistic3A_88, %logistic3A_86 : vector<1024x128xf32>
    %logistic3A_90 = arith.divf %logistic3A_88, %logistic3A_89 : vector<1024x128xf32>
    %mul3A_91 = arith.mulf %logistic3A_81, %get3A_22 : vector<1024x128xf32>
    %mul3A_92 = arith.mulf %logistic3A_74, %tanh3A_83 : vector<1024x128xf32>
    %add3A_93 = arith.addf %mul3A_91, %mul3A_92 : vector<1024x128xf32>
    %tanh3A_94 = math.tanh %add3A_93 : vector<1024x128xf32>
    %mul3A_95 = arith.mulf %logistic3A_90, %tanh3A_94 : vector<1024x128xf32>
    %slice3A_96 = vector.extract_strided_slice %dot_general3A_10 {offsets = [0, 512], sizes = [1024, 512], strides = [1, 1]} : vector<1024x1024xf32> to vector<1024x512xf32>
    %get3A_97 = arith.constant 0 : index
    %get3A_98 = arith.constant 0 : index
    %get3A_99 = vector.load %arg3[%get3A_97, %get3A_98] : memref<128x512xf32, #tpu.memory_space<vmem>>, vector<128x512xf32>
    %dot_general3A_100 = arith.constant dense<0.000000e+00> : vector<1024x512xf32>
    %dot_general3A_101 = tpu.matmul %mul3A_57, %get3A_99, %dot_general3A_100 {dimension_numbers = #tpu.dot_dimension_numbers<[1], [0], [0], [1], [0, 0, 1, 1], [], []>, transpose_lhs_hint = false} : vector<1024x128xf32>, vector<128x512xf32>, vector<1024x512xf32> -> vector<1024x512xf32>
    %add3A_102 = arith.addf %slice3A_96, %dot_general3A_101 : vector<1024x512xf32>
    %get3A_103 = arith.constant 0 : index
    %get3A_104 = arith.constant 0 : index
    %get3A_105 = vector.load %arg4[%get3A_103, %get3A_104] : memref<1x512xf32, #tpu.memory_space<vmem>>, vector<1x512xf32>
    %add3A_106 = vector.broadcast %get3A_105 : vector<1x512xf32> to vector<1024x512xf32>
    %add3A_107 = arith.addf %add3A_102, %add3A_106 : vector<1024x512xf32>
    %slice3A_108 = vector.extract_strided_slice %add3A_107 {offsets = [0, 0], sizes = [1024, 128], strides = [1, 1]} : vector<1024x512xf32> to vector<1024x128xf32>
    %logistic3A_109 = arith.negf %slice3A_108 : vector<1024x128xf32>
    %logistic3A_110 = math.exp %logistic3A_109 : vector<1024x128xf32>
    %logistic3A_111 = arith.constant 1.000000e+00 : f32
    %logistic3A_112 = vector.broadcast %logistic3A_111 : f32 to vector<1024x128xf32>
    %logistic3A_113 = arith.addf %logistic3A_112, %logistic3A_110 : vector<1024x128xf32>
    %logistic3A_114 = arith.divf %logistic3A_112, %logistic3A_113 : vector<1024x128xf32>
    %slice3A_115 = vector.extract_strided_slice %add3A_107 {offsets = [0, 128], sizes = [1024, 128], strides = [1, 1]} : vector<1024x512xf32> to vector<1024x128xf32>
    %logistic3A_116 = arith.negf %slice3A_115 : vector<1024x128xf32>
    %logistic3A_117 = math.exp %logistic3A_116 : vector<1024x128xf32>
    %logistic3A_118 = arith.constant 1.000000e+00 : f32
    %logistic3A_119 = vector.broadcast %logistic3A_118 : f32 to vector<1024x128xf32>
    %logistic3A_120 = arith.addf %logistic3A_119, %logistic3A_117 : vector<1024x128xf32>
    %logistic3A_121 = arith.divf %logistic3A_119, %logistic3A_120 : vector<1024x128xf32>
    %slice3A_122 = vector.extract_strided_slice %add3A_107 {offsets = [0, 256], sizes = [1024, 128], strides = [1, 1]} : vector<1024x512xf32> to vector<1024x128xf32>
    %tanh3A_123 = math.tanh %slice3A_122 : vector<1024x128xf32>
    %slice3A_124 = vector.extract_strided_slice %add3A_107 {offsets = [0, 384], sizes = [1024, 128], strides = [1, 1]} : vector<1024x512xf32> to vector<1024x128xf32>
    %logistic3A_125 = arith.negf %slice3A_124 : vector<1024x128xf32>
    %logistic3A_126 = math.exp %logistic3A_125 : vector<1024x128xf32>
    %logistic3A_127 = arith.constant 1.000000e+00 : f32
    %logistic3A_128 = vector.broadcast %logistic3A_127 : f32 to vector<1024x128xf32>
    %logistic3A_129 = arith.addf %logistic3A_128, %logistic3A_126 : vector<1024x128xf32>
    %logistic3A_130 = arith.divf %logistic3A_128, %logistic3A_129 : vector<1024x128xf32>
    %mul3A_131 = arith.mulf %logistic3A_121, %add3A_55 : vector<1024x128xf32>
    %mul3A_132 = arith.mulf %logistic3A_114, %tanh3A_123 : vector<1024x128xf32>
    %add3A_133 = arith.addf %mul3A_131, %mul3A_132 : vector<1024x128xf32>
    %tanh3A_134 = math.tanh %add3A_133 : vector<1024x128xf32>
    %mul3A_135 = arith.mulf %logistic3A_130, %tanh3A_134 : vector<1024x128xf32>
    %concatenate3A_136 = tpu.concatenate %mul3A_135, %mul3A_95 in 1 : vector<1024x128xf32>, vector<1024x128xf32> -> vector<1024x256xf32>
    %get3A_137 = arith.constant 0 : index
    %get3A_138 = arith.constant 0 : index
    %get3A_139 = vector.load %arg5[%get3A_137, %get3A_138] : memref<256x512xf32, #tpu.memory_space<vmem>>, vector<256x512xf32>
    %dot_general3A_140 = arith.constant dense<0.000000e+00> : vector<1024x512xf32>
    %dot_general3A_141 = tpu.matmul %concatenate3A_136, %get3A_139, %dot_general3A_140 {dimension_numbers = #tpu.dot_dimension_numbers<[1], [0], [0], [1], [0, 0, 1, 1], [], []>, transpose_lhs_hint = false} : vector<1024x256xf32>, vector<256x512xf32>, vector<1024x512xf32> -> vector<1024x512xf32>
    %get3A_142 = arith.constant 0 : index
    %get3A_143 = arith.constant 0 : index
    %get3A_144 = vector.load %arg6[%get3A_142, %get3A_143] : memref<1x512xf32, #tpu.memory_space<vmem>>, vector<1x512xf32>
    %add3A_145 = vector.broadcast %get3A_144 : vector<1x512xf32> to vector<1024x512xf32>
    %add3A_146 = arith.addf %dot_general3A_141, %add3A_145 : vector<1024x512xf32>
    %slice3A_147 = vector.extract_strided_slice %add3A_146 {offsets = [0, 0], sizes = [1024, 128], strides = [1, 1]} : vector<1024x512xf32> to vector<1024x128xf32>
    %logistic3A_148 = arith.negf %slice3A_147 : vector<1024x128xf32>
    %logistic3A_149 = math.exp %logistic3A_148 : vector<1024x128xf32>
    %logistic3A_150 = arith.constant 1.000000e+00 : f32
    %logistic3A_151 = vector.broadcast %logistic3A_150 : f32 to vector<1024x128xf32>
    %logistic3A_152 = arith.addf %logistic3A_151, %logistic3A_149 : vector<1024x128xf32>
    %logistic3A_153 = arith.divf %logistic3A_151, %logistic3A_152 : vector<1024x128xf32>
    %slice3A_154 = vector.extract_strided_slice %add3A_146 {offsets = [0, 128], sizes = [1024, 128], strides = [1, 1]} : vector<1024x512xf32> to vector<1024x128xf32>
    %logistic3A_155 = arith.negf %slice3A_154 : vector<1024x128xf32>
    %logistic3A_156 = math.exp %logistic3A_155 : vector<1024x128xf32>
    %logistic3A_157 = arith.constant 1.000000e+00 : f32
    %logistic3A_158 = vector.broadcast %logistic3A_157 : f32 to vector<1024x128xf32>
    %logistic3A_159 = arith.addf %logistic3A_158, %logistic3A_156 : vector<1024x128xf32>
    %logistic3A_160 = arith.divf %logistic3A_158, %logistic3A_159 : vector<1024x128xf32>
    %slice3A_161 = vector.extract_strided_slice %add3A_146 {offsets = [0, 256], sizes = [1024, 128], strides = [1, 1]} : vector<1024x512xf32> to vector<1024x128xf32>
    %tanh3A_162 = math.tanh %slice3A_161 : vector<1024x128xf32>
    %slice3A_163 = vector.extract_strided_slice %add3A_146 {offsets = [0, 384], sizes = [1024, 128], strides = [1, 1]} : vector<1024x512xf32> to vector<1024x128xf32>
    %logistic3A_164 = arith.negf %slice3A_163 : vector<1024x128xf32>
    %logistic3A_165 = math.exp %logistic3A_164 : vector<1024x128xf32>
    %logistic3A_166 = arith.constant 1.000000e+00 : f32
    %logistic3A_167 = vector.broadcast %logistic3A_166 : f32 to vector<1024x128xf32>
    %logistic3A_168 = arith.addf %logistic3A_167, %logistic3A_165 : vector<1024x128xf32>
    %logistic3A_169 = arith.divf %logistic3A_167, %logistic3A_168 : vector<1024x128xf32>
    %mul3A_170 = arith.mulf %logistic3A_160, %add3A_93 : vector<1024x128xf32>
    %mul3A_171 = arith.mulf %logistic3A_153, %tanh3A_162 : vector<1024x128xf32>
    %add3A_172 = arith.addf %mul3A_170, %mul3A_171 : vector<1024x128xf32>
    %tanh3A_173 = math.tanh %add3A_172 : vector<1024x128xf32>
    %mul3A_174 = arith.mulf %logistic3A_169, %tanh3A_173 : vector<1024x128xf32>
    %swap3A = arith.constant 0 : index
    %swap3A_175 = arith.constant 0 : index
    %swap3A_176 = vector.load %arg9[%swap3A, %swap3A_175] : memref<1024x128xf32, #tpu.memory_space<vmem>>, vector<1024x128xf32>
    tpu.vector_store %arg9[%swap3A, %swap3A_175], %mul3A_135 {strides = array<i32>} : memref<1024x128xf32, #tpu.memory_space<vmem>>, vector<1024x128xf32>,
    %swap3A_177 = arith.constant 0 : index
    %swap3A_178 = arith.constant 0 : index
    %swap3A_179 = vector.load %arg10[%swap3A_177, %swap3A_178] : memref<1024x128xf32, #tpu.memory_space<vmem>>, vector<1024x128xf32>
    tpu.vector_store %arg10[%swap3A_177, %swap3A_178], %add3A_133 {strides = array<i32>} : memref<1024x128xf32, #tpu.memory_space<vmem>>, vector<1024x128xf32>,
    %swap3A_180 = arith.constant 0 : index
    %swap3A_181 = arith.constant 0 : index
    %swap3A_182 = vector.load %arg11[%swap3A_180, %swap3A_181] : memref<1024x128xf32, #tpu.memory_space<vmem>>, vector<1024x128xf32>
    tpu.vector_store %arg11[%swap3A_180, %swap3A_181], %mul3A_174 {strides = array<i32>} : memref<1024x128xf32, #tpu.memory_space<vmem>>, vector<1024x128xf32>,
    %swap3A_183 = arith.constant 0 : index
    %swap3A_184 = arith.constant 0 : index
    %swap3A_185 = vector.load %arg12[%swap3A_183, %swap3A_184] : memref<1024x128xf32, #tpu.memory_space<vmem>>, vector<1024x128xf32>
    tpu.vector_store %arg12[%swap3A_183, %swap3A_184], %add3A_172 {strides = array<i32>} : memref<1024x128xf32, #tpu.memory_space<vmem>>, vector<1024x128xf32>,
    %eq3A_186 = arith.constant 24 : i32
    %eq3A_187 = arith.cmpi eq, %arg0, %eq3A_186 : i32
    %convert_element_type3A_188 = arith.extui %eq3A_187 : i1 to i32
    %cond3A_189 = arith.constant 0 : i32
    %cond3A_190 = arith.cmpi ne, %convert_element_type3A_188, %cond3A_189 : i32
    scf.if %cond3A_190 {
      %swap3A_191 = arith.constant 0 : index
      %swap3A_192 = arith.constant 0 : index
      %swap3A_193 = arith.constant 0 : index
      %swap3A_194 = vector.load %arg7[%swap3A_191, %swap3A_192, %swap3A_193] : memref<2x1024x128xf32, #tpu.memory_space<vmem>>, vector<1x1024x128xf32>
      %swap3A_195 = vector.shape_cast %swap3A_194 : vector<1x1024x128xf32> to vector<1024x128xf32>
      %swap3A_196 = vector.shape_cast %mul3A_135 : vector<1024x128xf32> to vector<1x1024x128xf32>
      tpu.vector_store %arg7[%swap3A_191, %swap3A_192, %swap3A_193], %swap3A_196 {strides = array<i32>} : memref<2x1024x128xf32, #tpu.memory_space<vmem>>, vector<1x1024x128xf32>,
      %swap3A_197 = arith.constant 1 : index
      %swap3A_198 = arith.constant 0 : index
      %swap3A_199 = arith.constant 0 : index
      %swap3A_200 = vector.load %arg7[%swap3A_197, %swap3A_198, %swap3A_199] : memref<2x1024x128xf32, #tpu.memory_space<vmem>>, vector<1x1024x128xf32>
      %swap3A_201 = vector.shape_cast %swap3A_200 : vector<1x1024x128xf32> to vector<1024x128xf32>
      %swap3A_202 = vector.shape_cast %mul3A_174 : vector<1024x128xf32> to vector<1x1024x128xf32>
      tpu.vector_store %arg7[%swap3A_197, %swap3A_198, %swap3A_199], %swap3A_202 {strides = array<i32>} : memref<2x1024x128xf32, #tpu.memory_space<vmem>>, vector<1x1024x128xf32>,
      %swap3A_203 = arith.constant 0 : index
      %swap3A_204 = arith.constant 0 : index
      %swap3A_205 = arith.constant 0 : index
      %swap3A_206 = vector.load %arg8[%swap3A_203, %swap3A_204, %swap3A_205] : memref<2x1024x128xf32, #tpu.memory_space<vmem>>, vector<1x1024x128xf32>
      %swap3A_207 = vector.shape_cast %swap3A_206 : vector<1x1024x128xf32> to vector<1024x128xf32>
      %swap3A_208 = vector.shape_cast %add3A_133 : vector<1024x128xf32> to vector<1x1024x128xf32>
      tpu.vector_store %arg8[%swap3A_203, %swap3A_204, %swap3A_205], %swap3A_208 {strides = array<i32>} : memref<2x1024x128xf32, #tpu.memory_space<vmem>>, vector<1x1024x128xf32>,
      %swap3A_209 = arith.constant 1 : index
      %swap3A_210 = arith.constant 0 : index
      %swap3A_211 = arith.constant 0 : index
      %swap3A_212 = vector.load %arg8[%swap3A_209, %swap3A_210, %swap3A_211] : memref<2x1024x128xf32, #tpu.memory_space<vmem>>, vector<1x1024x128xf32>
      %swap3A_213 = vector.shape_cast %swap3A_212 : vector<1x1024x128xf32> to vector<1024x128xf32>
      %swap3A_214 = vector.shape_cast %add3A_172 : vector<1024x128xf32> to vector<1x1024x128xf32>
      tpu.vector_store %arg8[%swap3A_209, %swap3A_210, %swap3A_211], %swap3A_214 {strides = array<i32>} : memref<2x1024x128xf32, #tpu.memory_space<vmem>>, vector<1x1024x128xf32>,
    } else {
    }
    return
  }
  func.func @transform_0(%arg0: i32) -> (i32, i32, i32, i32) {
    %c0_i32 = arith.constant 0 : i32
    %c0_i32_0 = arith.constant 0 : i32
    %c0_i32_1 = arith.constant 0 : i32
    %c0_i32_2 = arith.constant 0 : i32
    return %c0_i32, %arg0, %c0_i32_0, %c0_i32_1 : i32, i32, i32, i32
  }
  func.func @transform_1(%arg0: i32) -> (i32, i32) {
    %c0_i32 = arith.constant 0 : i32
    %c0_i32_0 = arith.constant 0 : i32
    %c0_i32_1 = arith.constant 0 : i32
    return %c0_i32, %c0_i32_0 : i32, i32
  }
  func.func @transform_2(%arg0: i32) -> (i32, i32) {
    %c0_i32 = arith.constant 0 : i32
    %c0_i32_0 = arith.constant 0 : i32
    %c0_i32_1 = arith.constant 0 : i32
    return %c0_i32, %c0_i32_0 : i32, i32
  }
  func.func @transform_3(%arg0: i32) -> (i32, i32) {
    %c0_i32 = arith.constant 0 : i32
    %c0_i32_0 = arith.constant 0 : i32
    %c0_i32_1 = arith.constant 0 : i32
    return %c0_i32, %c0_i32_0 : i32, i32
  }
  func.func @transform_4(%arg0: i32) -> (i32, i32) {
    %c0_i32 = arith.constant 0 : i32
    %c0_i32_0 = arith.constant 0 : i32
    %c0_i32_1 = arith.constant 0 : i32
    return %c0_i32, %c0_i32_0 : i32, i32
  }
  func.func @transform_5(%arg0: i32) -> (i32, i32) {
    %c0_i32 = arith.constant 0 : i32
    %c0_i32_0 = arith.constant 0 : i32
    %c0_i32_1 = arith.constant 0 : i32
    return %c0_i32, %c0_i32_0 : i32, i32
  }
  func.func @transform_6(%arg0: i32) -> (i32, i32, i32) {
    %c0_i32 = arith.constant 0 : i32
    %c0_i32_0 = arith.constant 0 : i32
    %c0_i32_1 = arith.constant 0 : i32
    %c0_i32_2 = arith.constant 0 : i32
    return %c0_i32, %c0_i32_0, %c0_i32_1 : i32, i32, i32
  }
  func.func @transform_7(%arg0: i32) -> (i32, i32, i32) {
    %c0_i32 = arith.constant 0 : i32
    %c0_i32_0 = arith.constant 0 : i32
    %c0_i32_1 = arith.constant 0 : i32
    %c0_i32_2 = arith.constant 0 : i32
    return %c0_i32, %c0_i32_0, %c0_i32_1 : i32, i32, i32
  }
}

</mosaic_0001>

<sc_bundles>
// kernel: kernel.5.cloned.1.call-start
scs
__scs_entry_jumppad:
0x0: {  	(pc) =	sbr.rel $0x88, $3  }
0x1: {  	(tag) =	ssettag $0x0;
	lr =	simm.s32 $0x1  }
0x2: {  	[smem:$0x3F97] =	sst lr;
	_ =	strace $0xD0000000  }
0x3: {  	_ = 	snop  }
0x4: {  	_ = 	snop  }
0x5: {  	_ = 	snop  }
0x6: {  	_ = 	snop  }
0x7: {  	_ = 	snop  }
__scs_overlays_trampoline_lowered:
0x8: {  	[smem:$0x3FA6] =	sst s0  }
0x9: {  	[smem:$0x3FA7] =	sst s1  }
0xa: {  	[smem:$0x3FA8] =	sst s2  }
0xb: {  	[smem:$0x3FA9] =	sst s3  }
0xc: {  	[smem:$0x3FAA] =	sst s4  }
0xd: {  	[smem:$0x3FAB] =	sst s5  }
0xe: {  	[smem:$0x3FAC] =	sst s6  }
0xf: {  	[smem:$0x3FAD] =	sst s7  }
0x10: {  	[smem:$0x3FAE] =	sst s8  }
0x11: {  	[smem:$0x3FAF] =	sst s9;
	s0 =	simm.s32 @!p0 $0x0  }
0x12: {  	s1 =	sld [smem:$0x3F95];
	s0 =	simm.s32 @p0 $0x1  }
0x13: {  	[smem:$0x3FB0] =	sst s0;
	s0 =	simm.s32 @!p1 $0x0  }
0x14: {  	s2 =	sld [smem:$0x3F94];
	s0 =	simm.s32 @p1 $0x1  }
0x15: {  	[smem:$0x3FB1] =	sst s0;
	s0 =	simm.s32 @!p2 $0x0  }
0x16: {  	s3 =	sld [smem:$0x3FDB];
	s0 =	simm.s32 @p2 $0x1  }
0x17: {  	s4 =	simm.s32 $0x1BF5;
	[smem:$0x3FB3] =	sst s0  }
0x18: {  	s0 =	sld [smem:$0x3F96];
	_ =	swait.ge [sflag:s4], $0x0  }
0x19: {  	s7 =	sld [smem:$0x3F97]  }
0x1a: {  	s8 =	sadd.s32 $0xFFFFE003, lr  }
0x1b: {  	s9 =	sadd.s32 $0xFFFFFEF7, lr;
	s5 =	simm.s32 $0xFFFFFFFF;
	p2 =	slt.u32 s8, $0xFFFFF086  }
0x1c: {  	p1 =	slt.u32 s9, $0xF7A;
	s5 =	simm.s32 @!p2 $0x0  }
0x1d: {  	s5 =	simm.s32 @p1 $0x1;
	p0 =	seq.s32 s7, s2  }
0x1e: {  	s7 =	smul.u32 @!p0 $0xF7A, s2;
	p2 =	seq.s32 @!p0 s5, $0x0  }
0x1f: {  	s9 =	smul.u32 $0xF7A, s1;
	s8 =	simm.s32 @!p0 $0x1BF5;
	p2 =	por !p2, p0  }
0x20: {  	[sflag:s8] =	ssyncset.s32 @!p0 $0xFFFFF086;
	s6 =	sadd.s32 @!p0 s3, s7;
	s7 =	simm.s32 @!p0 $0x108  }
0x21: {  	s3 =	sadd.s32 s3, s9;
	s6 =	sadd.s32 @!p0 $0x88, s6;
	s7 =	simm.s32 @p2 $0x1082  }
0x22: {  	[simem:s7], [sflag:s8] =	dma.local @!p0 [hbm:s6], $0xF7A  }
0x23: {  	s9 =	sor.u32 $0xD0000000, s2;
	s6 =	simm.s32 $0x108;
	_ =	swait.ge @!p0 [sflag:s8], $0x0  }
0x24: {  	s3 =	sadd.s32 $0x88, s3;
	s6 =	simm.s32 @!p1 $0x1082;
	[sflag:s4] =	ssyncset.s32 $0xFFFFF086  }
0x25: {  	[simem:s6], [sflag:s4] =	dma.local [hbm:s3], $0xF7A  }
0x26: {  	[smem:$0x3F97] =	sst s1;
	(tag) =	ssettag s2;
	_ =	strace s9  }
0x27: {  	s1 =	sld [smem:$0x3FA7]  }
0x28: {  	s2 =	sld [smem:$0x3FA8]  }
0x29: {  	s4 =	sld [smem:$0x3FAA]  }
0x2a: {  	p0 =	seq.s32 s5, $0x0;
	s5 =	sld [smem:$0x3FAB]  }
0x2b: {  	s6 =	sld [smem:$0x3FAC]  }
0x2c: {  	s7 =	sld [smem:$0x3FAD]  }
0x2d: {  	s3 =	simm.s32 $0x108;
	s8 =	sld [smem:$0x3FAE]  }
0x2e: {  	s3 =	simm.s32 @!p0 $0x1082;
	s9 =	sld [smem:$0x3FAF]  }
0x2f: {  	lr =	sadd.s32 s0, s3;
	s0 =	sld [smem:$0x3FA6]  }
0x30: {  	s3 =	sld [smem:$0x3FA9]  }
0x31: {  	[smem:$0x3FB2] =	sst s10  }
0x32: {  	s10 =	sld [smem:$0x3FB0];
	_ =	sdelay $0x3  }
0x33: {  	p0 =	seq.s32 s10, $0x1;
	s10 =	sld [smem:$0x3FB2];
	_ =	sdelay $0x3  }
0x34: {  	[smem:$0x3FB2] =	sst s10  }
0x35: {  	s10 =	sld [smem:$0x3FB1];
	_ =	sdelay $0x3  }
0x36: {  	p1 =	seq.s32 s10, $0x1;
	s10 =	sld [smem:$0x3FB2];
	_ =	sdelay $0x3  }
0x37: {  	[smem:$0x3FB2] =	sst s10  }
0x38: {  	s10 =	sld [smem:$0x3FB3]  }
0x39: {  	_ = 	snop;
	(pc) =	sbr.ind lr, $3  }
0x3a: {  	_ = 	snop  }
0x3b: {  	_ = 	snop  }
0x3c: {  	p2 =	seq.s32 s10, $0x1;
	s10 =	sld [smem:$0x3FB2]  }
0x3d: {  	_ =	shalt  }
0x3e: {  	_ =	shalt  }
0x3f: {  	_ =	shalt  }
0x40: {  	_ =	shalt  }
0x41: {  	_ =	shalt  }
0x42: {  	_ =	shalt  }
0x43: {  	_ =	shalt  }
0x44: {  	_ =	shalt  }
0x45: {  	_ =	shalt  }
0x46: {  	_ =	shalt  }
0x47: {  	_ =	shalt  }
0x48: {  	_ =	shalt  }
0x49: {  	_ =	shalt  }
0x4a: {  	_ =	shalt  }
0x4b: {  	_ =	shalt  }
0x4c: {  	_ =	shalt  }
0x4d: {  	_ =	shalt  }
0x4e: {  	_ =	shalt  }
0x4f: {  	_ =	shalt  }
0x50: {  	_ =	shalt  }
0x51: {  	_ =	shalt  }
0x52: {  	_ =	shalt  }
0x53: {  	_ =	shalt  }
0x54: {  	_ =	shalt  }
0x55: {  	_ =	shalt  }
0x56: {  	_ =	shalt  }
0x57: {  	_ =	shalt  }
0x58: {  	_ =	shalt  }
0x59: {  	_ =	shalt  }
0x5a: {  	_ =	shalt  }
0x5b: {  	_ =	shalt  }
0x5c: {  	_ =	shalt  }
0x5d: {  	_ =	shalt  }
0x5e: {  	_ =	shalt  }
0x5f: {  	_ =	shalt  }
0x60: {  	_ =	shalt  }
0x61: {  	_ =	shalt  }
0x62: {  	_ =	shalt  }
0x63: {  	_ =	shalt  }
0x64: {  	_ =	shalt  }
0x65: {  	_ =	shalt  }
0x66: {  	_ =	shalt  }
0x67: {  	_ =	shalt  }
0x68: {  	_ =	shalt  }
0x69: {  	_ =	shalt  }
0x6a: {  	_ =	shalt  }
0x6b: {  	_ =	shalt  }
0x6c: {  	_ =	shalt  }
0x6d: {  	_ =	shalt  }
0x6e: {  	_ =	shalt  }
0x6f: {  	_ =	shalt  }
0x70: {  	_ =	shalt  }
0x71: {  	_ =	shalt  }
0x72: {  	_ =	shalt  }
0x73: {  	_ =	shalt  }
0x74: {  	_ =	shalt  }
0x75: {  	_ =	shalt  }
0x76: {  	_ =	shalt  }
0x77: {  	_ =	shalt  }
0x78: {  	_ =	shalt  }
0x79: {  	_ =	shalt  }
0x7a: {  	_ =	shalt  }
0x7b: {  	_ =	shalt  }
0x7c: {  	_ =	shalt  }
0x7d: {  	_ =	shalt  }
0x7e: {  	_ =	shalt  }
0x7f: {  	_ =	shalt  }
0x80: {  	_ =	shalt  }
0x81: {  	_ =	shalt  }
0x82: {  	_ =	shalt  }
0x83: {  	_ =	shalt  }
0x84: {  	_ =	shalt  }
0x85: {  	_ =	shalt  }
0x86: {  	_ =	shalt  }
0x87: {  	_ =	shalt  }
.Lfunc_end0:
.L_simem_size_0:
called_computation_lowered:
.L_overlay_start_0:
0x88: {  	s2 =	sld [smem:$0x3FD9]  }
0x89: {  	s3 =	sld [smem:$0x3FFE];
	_ =	sdelay $0x1  }
0x8a: {  	s1 =	srdreg.scid  }
0x8b: {  	s0 =	sand.u32 $0x1, s1  }
0x8c: {  	s14 =	sshll.u32 s0, $0xA;
	s2 =	sadd.s32 s3, s2  }
0x8d: {  	s2 =	sadd.s32 s2, s14  }
0x8e: {  	[smem:$0x3FBE] =	sst s2  }
0x8f: {  	_ = 	snop  }
0x90: {  	s2 =	sld [smem:$0x3FD0];
	_ =	sdelay $0x2  }
0x91: {  	s15 =	simm.s32 $0xA;
	s4 =	simm.s32 $0x10  }
0x92: {  	[smem:s4], [sflag:s15] =	dma.local [hbm:s2], $0x1  }
0x93: {  	_ =	swait.eq [sflag:s15], $0x1  }
0x94: {  	[sflag:s15] =	ssyncset.done $0x0  }
0x95: {  	[sflag:s15] =	ssyncadd.s32 $0xFFFFFFFF  }
0x96: {  	s16 =	sld [smem:$0x11];
	(tm) =	ssettm $0x1  }
0x97: {  	s17 =	sld [smem:$0x3FFB];
	_ =	sdelay $0x3  }
0x98: {  	_ =	strace s17  }
0x99: {  	s3 =	sld [smem:$0x3FFC];
	_ =	sdelay $0x3  }
0x9a: {  	_ =	strace s3  }
0x9b: {  	s3 =	sld [smem:$0x3FFD];
	_ =	sdelay $0x3  }
0x9c: {  	_ =	strace s3  }
0x9d: {  	_ =	strace $0x8FFFFFFF  }
0x9e: {  	s18 =	sld [smem:$0x3FDB];
	_ =	sdelay $0x1  }
0x9f: {  	s19 =	simm.s32 $_scs_section_size  }
0xa0: {  	s5 =	simm.s32 $_size__tile_overlayer_lowered;
	s6 =	simm.s32 $_tile_overlayer_lowered  }
0xa1: {  	s22 =	simm.s32 $0x1BFF;
	s21 =	sshll.u32 s6, $0x1;
	s3 =	sadd.s32 s19, s18  }
0xa2: {  	s7 =	simm.s32 $0x0;
	s20 =	sshll.u32 s5, $0x1;
	s5 =	sadd.s32 s21, s3  }
0xa3: {  	[timem:s7], [sflag:s22] =	dma.local [hbm:s5], s20  }
0xa4: {  	_ =	swait.ge [sflag:s22], s20  }
0xa5: {  	s4 =	ssub.s32 $0x0, s20;
	[sflag:s22] =	ssyncset.done $0x0  }
0xa6: {  	[sflag:s22] =	ssyncadd.s32 s4;
	_ =	sdelay $0x1  }
0xa7: {  	s23 =	simm.s32 $0x1B8B  }
0xa8: {  	_ =	swait.ge [sflag:s23], $0x1  }
0xa9: {  	[sflag:s23] =	ssyncset.done $0x0  }
0xaa: {  	s25 =	simm.s32 $0x1B8E;
	s24 =	sld [smem:$0x3FFE];
	[sflag:s23] =	ssyncadd.s32 $0xFFFFFFFF  }
0xab: {  	s26 =	simm.s32 $execute0_lowered;
	[smem:$0x3FD2] =	sst s25  }
0xac: {  	s5 =	sshll.u32 s26, $0x1;
	_ =	strace $0x80000046;
	[dreg:$0x1] =	wrdreg $0xFFFFFFFF  }
0xad: {  	s28 =	simm.s32 $_size_execute0_lowered;
	s3 =	sadd.s32 s3, s5;
	[dreg:$0x0] =	wrdreg $0x0  }
0xae: {  	s5 =	sshll.u32 s28, $0x1;
	[dreg:$0x2] =	wrdreg s3  }
0xaf: {  	[dreg:$0x3] =	wrdreg s5  }
0xb0: {  	[dreg:$0x4] =	wrdreg $0xC0  }
0xb1: {  	_ =	task [dreg:s7], $0x5FFFF  }
0xb2: {  	[dreg:$0x1] =	wrdreg $0xFFFFFFFF  }
0xb3: {  	[dreg:$0x0] =	wrdreg $0x60  }
0xb4: {  	[dreg:$0x2] =	wrdreg s16  }
0xb5: {  	[dreg:$0x3] =	wrdreg s24  }
0xb6: {  	[dreg:$0x4] =	wrdreg $0x9  }
0xb7: {  	_ =	task.clear_ibuf [dreg:s7], $0x5FFFF;
	_ =	strace $0x90000046  }
0xb8: {  	s29 =	simm.s32 $0x9;
	_ =	strace $0x80000048  }
0xb9: {  	_ =	swait.ge [sflag:s29], $0x1  }
0xba: {  	[sflag:s29] =	ssyncadd.s32 $0xFFFFFFFF  }
0xbb: {  	_ =	strace $0x90000048  }
0xbc: {  	_ =	sfence  }
0xbd: {  	s30 =	sld [smem:$0x0];
	_ =	sdelay $0x2  }
0xbe: {  	s31 =	sshll.u32 s1, $0xD;
	s1 =	sshrl.u32 s1, $0x2  }
0xbf: {  	s3 =	sand.u32 $0x4000, s31;
	s1 =	sadd.s32 s1, s30  }
0xc0: {  	s0 =	sor.u32 s3, s0;
	s1 =	sshll.u32 s1, $0x11  }
0xc1: {  	s0 =	sor.u32 s1, s0  }
0xc2: {  	s0 =	sadd.s32 $0x8F2B, s0  }
0xc3: {  	[sflag:s0] =	ssyncadd.remote.s32 $0x1  }
0xc4: {  	_ =	sfence.sel $0xFFFF  }
0xc5: {  	[dreg:$0x0] =	wrdreg $0xFFFFFFFF;
	(pc) =	sbr.abs _section_cstart, $3  }
0xc6: {  	[dreg:$0x1] =	wrdreg $0xFFFFFFFF  }
0xc7: {  	_ =	task.clear_ibuf [dreg:s7], $0x2FFFF;
	_ =	strace $0x9FFFFFFF  }
0xc8: {  	(tm) =	ssettm $0x7FFFFFFF  }
0xc9: {  	_ =	shalt  }
tec
execute0_lowered:
.L_overlay_start_1:
0x0: {  	(tag) =	ssettag $0x1  }
0x1: {  	s4 =	rddreg [dreg:$0x0];
	s1 =	srdreg.scid  }
0x2: {  	s0 =	stileid.u32;
	s5 =	rddreg [dreg:$0x1];
	s2 =	simm.s32 $0x0  }
0x3: {  	s9 =	simm.s32 $0x320;
	s10 =	simm.s32 $0x700;
	s11 =	simm.s32 $0xD40  }
0x4: {  	s12 =	simm.s32 $0xA20;
	s13 =	simm.s32 $0xD540;
	s14 =	simm.s32 $0x1  }
0x5: {  	s15 =	simm.s32 $0x40;
	s3 =	sand.u32 $0x1, s1;
	s6 =	sshll.u32 s0, $0x1  }
0x6: {  	s16 =	simm.s32 $0x80;
	s1 =	rddreg [dreg:$0x2];
	s6 =	sor.u32 s3, s6  }
0x7: {  	s17 =	simm.s32 $0x0;
	[smem:$0x7FF] =	sst s2;
	s7 =	smul.u32 $0x3200, s6  }
0x8: {  	_ =	strace $0x80000047;
	s8 =	ssub.s32 $0x2, s3;
	s6 =	smul.u32 $0xE0, s6  }
0x9: {  	s3 =	sadd.s32 $0x1600, s5;
	s31 =	sshrl.u32 s8, $0x1;
	s7 =	sadd.s32 s7, s5  }
0xa: {  	s8 =	ssub.s32 s8, s31;
	s4 =	sadd.s32 s4, s6;
	s5 =	sadd.s32 $0x7C1600, s7  }
0xb: {  	v0 =	vimm.s32 $0x0;
	s6 =	sadd.s32 $0x7C1608, s7;
	s7 =	smax.u32 s8, $0x1;
	s8 =	simm.s32 $0x2  }
.LBB2_1:
0xc: {  	v1 =	vlaneseq.u32  }
0xd: {  	v3 =	vmul.u32 $0x38, v0;
	v2 =	vshll.u32 v1, $0x1  }
0xe: {  	v4 =	vand.u32 $0xFFFFFFF8, v2  }
0xf: {  	v2 =	vand.u32 $0x6, v2;
	v3 =	vadd.s32 v3, v4  }
0x10: {  	v2 =	vor.u32 v2, v3  }
0x11: {  	[tilespmem:s2], [sflag:$0x2] =	stream.linear.gather [hbm4b:s4+s2], $0x700, $0x38;
	[tilespmem:$0x19D40] =	vst v63  }
0x12: {  	_ =	swait.ge [sflag:s8], $0x700  }
0x13: {  	[sflag:s8] =	ssyncset.done $0x0  }
0x14: {  	[sflag:s8] =	ssyncadd.s32 $0xFFFFF900  }
0x15: {  	v3 =	vld.idx.msk [tilespmem:v2+s2+$0x0], $0xffff;
	_ =	sdelay $0x4  }
0x16: {  	v2 =	vor.u32 $0x1, v2;
	v4 =	vshll.u32 v3, $0x1  }
0x17: {  	v5 =	vshrl.u32 v3, $0xE;
	v3 =	vand.u32 $0xFFFF8000, v3;
	v4 =	vand.u32 $0x7FFE, v4  }
0x18: {  	v5 =	vand.u32 $0x1, v5;
	v3 =	vor.u32 v3, v4  }
0x19: {  	s19 =	simm.s32 $0x0;
	v3 =	vor.u32 v5, v3  }
0x1a: {  	[tilespmem:s19+$0x700] =	vst v3;
	v3 =	vadd.s32 $0x10, v1  }
0x1b: {  	vm0 =	vgt.s32 v3, $0x18  }
0x1c: {  	v4 =	vld.idx.msk [tilespmem:v2+s2+$0x0], $0xffff;
	v1 =	vsel vm0, $0x1, v0;
	v2 =	vsel vm0, $0xFFFFFFE7, v0  }
0x1d: {  	v1 =	vadd.s32 v1, v0;
	v2 =	vadd.s32 v3, v2  }
0x1e: {  	v3 =	vshll.u32 v2, $0x1;
	v5 =	vmul.u32 $0x38, v1  }
0x1f: {  	v6 =	vand.u32 $0xFFFFFFF8, v3  }
0x20: {  	v3 =	vand.u32 $0x6, v3;
	v5 =	vadd.s32 v5, v6  }
0x21: {  	v6 =	vshll.u32 v4, $0x1;
	v3 =	vor.u32 v3, v5  }
0x22: {  	v7 =	vshrl.u32 v4, $0xE;
	v4 =	vand.u32 $0xFFFF8000, v4;
	v6 =	vand.u32 $0x7FFE, v6  }
0x23: {  	v4 =	vor.u32 v4, v6;
	v6 =	vand.u32 $0x1, v7  }
0x24: {  	s18 =	simm.s32 $0x40;
	s20 =	simm.s32 $0x80;
	v4 =	vor.u32 v6, v4  }
.LBB2_2:
0x25: {  	p0 =	sne.s32 s20, $0xC40;
	[tilespmem:s19+$0xA20] =	vst v4;
	s21 =	smov.u32 s20;
	s20 =	sadd.s32 $0x40, s20  }
0x26: {  	v4 =	vld.idx.msk [tilespmem:v3+s2+$0x0], $0xffff;
	_ =	sdelay $0x5  }
0x27: {  	v3 =	vor.u32 $0x1, v3;
	v5 =	vshrl.u32 v4, $0xE;
	v6 =	vshll.u32 v4, $0x1  }
0x28: {  	v4 =	vand.u32 $0xFFFF8000, v4;
	v6 =	vand.u32 $0x7FFE, v6  }
0x29: {  	v5 =	vand.u32 $0x1, v5;
	v4 =	vor.u32 v4, v6  }
0x2a: {  	s19 =	sshra.s32 s18, $0x2;
	s18 =	smov.u32 s21;
	v4 =	vor.u32 v5, v4  }
0x2b: {  	v2 =	vadd.s32 $0x10, v2;
	[tilespmem:s19+$0x700] =	vst v4  }
0x2c: {  	vm0 =	vgt.s32 v2, $0x18;
	v4 =	vld.idx.msk [tilespmem:v3+s2+$0x0], $0xffff  }
0x2d: {  	v5 =	vsel vm0, $0xFFFFFFE7, v0;
	v3 =	vsel vm0, $0x1, v0  }
0x2e: {  	v2 =	vadd.s32 v2, v5;
	v1 =	vadd.s32 v3, v1  }
0x2f: {  	v3 =	vshll.u32 v2, $0x1;
	v5 =	vmul.u32 $0x38, v1  }
0x30: {  	v6 =	vand.u32 $0xFFFFFFF8, v3  }
.Ltmp0:
0x31: {  	v3 =	vand.u32 $0x6, v3;
	v5 =	vadd.s32 v5, v6;
	(pc) =	sbr.rel @p0 .LBB2_2-.Ltmp0, $4  }
0x32: {  	v3 =	vor.u32 v3, v5;
	v5 =	vshrl.u32 v4, $0xE;
	v6 =	vshll.u32 v4, $0x1  }
0x33: {  	v4 =	vand.u32 $0xFFFF8000, v4;
	v6 =	vand.u32 $0x7FFE, v6  }
0x34: {  	v5 =	vand.u32 $0x1, v5;
	v4 =	vor.u32 v4, v6  }
0x35: {  	v4 =	vor.u32 v5, v4  }
0x36: {  	_ =	sdelay $0x2  }
0x37: {  	[tilespmem:s19+$0xA20] =	vst v4  }
0x38: {  	v1 =	vld.idx.msk [tilespmem:v3+s2+$0x0], $0xffff;
	_ =	sdelay $0x4  }
0x39: {  	v3 =	vor.u32 $0x1, v3;
	v2 =	vshll.u32 v1, $0x1  }
0x3a: {  	v63 =	vshrl.u32 v1, $0xE;
	v1 =	vand.u32 $0xFFFF8000, v1;
	v2 =	vand.u32 $0x7FFE, v2  }
0x3b: {  	v4 =	vand.u32 $0x1, v63;
	v1 =	vor.u32 v1, v2  }
0x3c: {  	s18 =	sshra.s32 s18, $0x2;
	v1 =	vor.u32 v4, v1  }
0x3d: {  	[tilespmem:s18+$0x700] =	vst v1  }
0x3e: {  	v1 =	vld.idx.msk [tilespmem:v3+s2+$0x0], $0xffff;
	_ =	sdelay $0x4  }
0x3f: {  	v2 =	vshll.u32 v1, $0x1  }
0x40: {  	v3 =	vshrl.u32 v1, $0xE;
	v1 =	vand.u32 $0xFFFF8000, v1;
	v2 =	vand.u32 $0x7FFE, v2  }
0x41: {  	v3 =	vand.u32 $0x1, v3;
	v1 =	vor.u32 v1, v2  }
0x42: {  	v1 =	vor.u32 v3, v1  }
0x43: {  	[tilespmem:s18+$0xA20] =	vst v1  }
0x44: {  	[tilespmem:s11], [sflag:$0x1] =	stream.indirect.gather [hbm4b:s3+s9], $0x40, s10, s9, $0xb8;
	[tilespmem:$0x19D40] =	vst v63  }
0x45: {  	_ = 	snop  }
0x46: {  	[tilespmem:s13], [sflag:$0x1] =	stream.indirect.gather [hbm4b:s3+s9], $0x40, s12, s9, $0xb8;
	[tilespmem:$0x19D40] =	vst v63  }
0x47: {  	_ =	swait.ge [sflag:s14], $0xC800  }
0x48: {  	[sflag:s14] =	ssyncset.done $0x0  }
0x49: {  	[sflag:s14] =	ssyncadd.s32 $0xFFFF3800  }
0x4a: {  	_ =	swait.ge [sflag:s14], $0xC800  }
0x4b: {  	[sflag:s14] =	ssyncset.done $0x0  }
0x4c: {  	[sflag:s14] =	ssyncadd.s32 $0xFFFF3800  }
0x4d: {  	[hbm4b:s5+s15] =	stream.strided.scatter [tilespmem:s11], [sflag:$0x2], $0xC800, s16, s15, $0x38;
	[tilespmem:$0x19D40] =	vst v63  }
0x4e: {  	s17 =	sadd.s32 $0x1, s17;
	_ =	swait.ge [sflag:s8], $0xC800  }
0x4f: {  	p0 =	sne.s32 s17, s7;
	[sflag:s8] =	ssyncset.done $0x0  }
.Ltmp1:
0x50: {  	[sflag:s8] =	ssyncadd.s32 $0xFFFF3800;
	(pc) =	sbr.rel @p0 .LBB2_1-.Ltmp1, $4  }
0x51: {  	[hbm4b:s6+s15] =	stream.strided.scatter [tilespmem:s13], [sflag:$0x2], $0xC800, s16, s15, $0x38;
	[tilespmem:$0x19D40] =	vst v63  }
0x52: {  	_ =	swait.ge [sflag:s8], $0xC800  }
0x53: {  	[sflag:s8] =	ssyncset.done $0x0  }
0x54: {  	[sflag:s8] =	ssyncadd.s32 $0xFFFF3800  }
0x55: {  	_ =	sfence.sel $0x180000  }
0x56: {  	[bflag:$0x0] =	sbarrier.arrive $0xFFFF  }
0x57: {  	p0 =	sne.s32 s0, $0x0;
	_ =	strace $0x90000047  }
0x58: {  	s0 =	sadd.s32 @!p0 $0x100000, s1;
	[bflag:$0x2] =	sbarrier.arrive $0xFFFF  }
0x59: {  	[sflag:s0] =	ssyncadd.tile.s32 @!p0 $0x1;
	_ =	shalt  }
.Lfunc_end2:
_tile_overlayer_lowered:
.L_overlay_start_2:
0x5a: {  	(tag) =	ssettag $0x2  }
0x5b: {  	s0 =	rddreg [dreg:$0x0];
	s2 =	stileid.u32  }
0x5c: {  	s1 =	rddreg [dreg:$0x1];
	p0 =	sne.s32 s2, $0x0  }
0x5d: {  	s3 =	rddreg [dreg:$0x2];
	[bflag:$0x3] =	sbarrier.arrive $0xFFFF;
	s2 =	simm.s32 @!p0 $0x1C02  }
0x5e: {  	[timem:s3], [sflag:s2] =	dma.local @!p0 [hbm:s0], s1  }
0x5f: {  	s0 =	simm.s32 @!p0 $0x2  }
0x60: {  	_ =	swait.ge @!p0 [sflag:s0], s1  }
0x61: {  	s1 =	ssub.s32 @!p0 $0x0, s1;
	[sflag:s0] =	ssyncset.done @!p0 $0x0  }
0x62: {  	[sflag:s0] =	ssyncadd.s32 @!p0 s1  }
0x63: {  	[bflag:$0x3] =	sbarrier.arrive $0xFFFF  }
0x64: {  	_ =	shalt  }

</sc_bundles>
